<compile_context>
chip_gen: v7x
topology: tpu7x:2x2x1
jax: 0.10.2.dev20260603
libtpu: 0.0.44.dev20260713+nightly
codegen_flags: <defaults>
</compile_context>

<pallas_src>
import functools

import jax
import jax.numpy as jnp
from jax import lax
from jax.experimental import pallas as pl
from jax.experimental.pallas import tpu as pltpu
from jax.experimental.pallas import tpu_sc as plsc

N_S = 10000
N_T = 10000
D_FEAT = 64
NUM_CLASSES = 22
C_PAD = 128
TEMP = 2.0

KSPLIT = 32
BS = 1000
N_SB = N_S // BS
NT_PAD = 10240
TT = 2048

B_PAD = 10240
NW = 32
B_PER_W = B_PAD // NW


def _log_softmax(x):
    m = jnp.max(x, axis=1, keepdims=True)
    y = x - m
    return y - jnp.log(jnp.sum(jnp.exp(y), axis=1, keepdims=True))


def _body_a(s_aug_ref, t_aug_t_ref, s_feat_ref, t_feat_ref, w_ref, b_ref,
            wt_ref, bt_ref, seg_ref, idx_ref, ce_ref, sl_ref, t_logits_ref):
    pid = pl.program_id(0)

    @pl.when(pid == 0)
    def _compute_teacher_logits():
        t_logits_ref[...] = (
            jnp.dot(t_feat_ref[...], wt_ref[...],
                    preferred_element_type=jnp.float32) + bt_ref[...])

    s_aug = s_aug_ref[...]

    best = jnp.full((BS, 1), -jnp.inf, dtype=jnp.float32)
    bidx = jnp.zeros((BS, 1), dtype=jnp.int32)
    for i in range(NT_PAD // TT):
        t_blk = t_aug_t_ref[:, i * TT:(i + 1) * TT]
        sc = jnp.dot(s_aug, t_blk, preferred_element_type=jnp.float32)
        m = jnp.max(sc, axis=1, keepdims=True)
        col = jax.lax.broadcasted_iota(jnp.int32, (BS, TT), 1) + i * TT
        li = jnp.min(jnp.where(sc == m, col, jnp.int32(2**30)),
                     axis=1, keepdims=True)
        upd = m > best
        best = jnp.where(upd, m, best)
        bidx = jnp.where(upd, li, bidx)
    idx_ref[...] = bidx[:, 0].reshape(1, 1, BS)

    sl = (jnp.dot(s_feat_ref[...], w_ref[...],
                  preferred_element_type=jnp.float32) + b_ref[...])
    sl_ref[...] = sl
    logp = _log_softmax(sl)
    seg = seg_ref[0, 0, :]
    cls = jax.lax.broadcasted_iota(jnp.int32, (BS, NUM_CLASSES), 1)
    seg_oh = cls == seg[:, None]
    ce_ref[...] = jnp.broadcast_to(-jnp.sum(jnp.where(seg_oh, logp, 0.0)),
                                   (1, 1, 128))


@functools.cache
def _make_sc_gather():
    @functools.partial(
        pl.kernel,
        mesh=plsc.VectorSubcoreMesh(core_axis_name="c", subcore_axis_name="s"),
        out_type=jax.ShapeDtypeStruct((B_PAD, C_PAD), jnp.float32),
        scratch_types=[
            pltpu.VMEM((B_PER_W,), jnp.int32),
            pltpu.VMEM((B_PER_W, C_PAD), jnp.float32),
            pltpu.SemaphoreType.DMA,
        ],
    )
    def _sc_gather(table_hbm, idx_hbm, out_hbm, idx_v, rows_v, sem):
        wid = lax.axis_index("s") * 2 + lax.axis_index("c")
        base = wid * B_PER_W
        pltpu.sync_copy(idx_hbm.at[pl.ds(base, B_PER_W)], idx_v)
        pltpu.async_copy(table_hbm.at[idx_v], rows_v, sem).wait()
        pltpu.sync_copy(rows_v, out_hbm.at[pl.ds(base, B_PER_W)])

    return _sc_gather


def _body_c(matched_ref, sl_ref, kl_ref):
    mt = matched_ref[...][:, :NUM_CLASSES] / TEMP
    slp = _log_softmax(sl_ref[...] / TEMP)
    tlp = _log_softmax(mt)
    tp = jnp.exp(tlp)
    kl_ref[...] = jnp.broadcast_to(jnp.sum(tp * (tlp - slp)), (1, 128))


@jax.jit
def kernel(s_feat, t_feat, student_coords, teacher_coords, W, b, Wt, bt,
           segment):
    def split3(x):
        h1 = x.astype(jnp.bfloat16).astype(jnp.float32)
        r1 = x - h1
        h2 = r1.astype(jnp.bfloat16).astype(jnp.float32)
        h3 = (r1 - h2).astype(jnp.bfloat16).astype(jnp.float32)
        return h1, h2, h3

    s_ctr = student_coords - 5.0
    t_ctr = teacher_coords - 5.0

    t2 = jnp.sum(t_ctr * t_ctr, axis=1)
    neg_half_t2 = jnp.concatenate(
        [-0.5 * t2, jnp.full((NT_PAD - N_T,), -1e30, jnp.float32)])
    t_coords_pad = jnp.concatenate(
        [t_ctr, jnp.zeros((NT_PAD - N_T, 3), jnp.float32)], axis=0)

    s_sp = split3(s_ctr)
    t_sp = split3(t_coords_pad)
    b_sp = split3(neg_half_t2)

    lhs_cols, rhs_rows = [], []
    ones = jnp.ones((N_S,), jnp.float32)
    for c in range(3):
        for i in range(3):
            for j in range(3):
                lhs_cols.append(s_sp[i][:, c])
                rhs_rows.append(t_sp[j][:, c])
    for k in range(3):
        lhs_cols.append(ones)
        rhs_rows.append(b_sp[k])
    zs = jnp.zeros((N_S,), jnp.float32)
    zt = jnp.zeros((NT_PAD,), jnp.float32)
    while len(lhs_cols) < KSPLIT:
        lhs_cols.append(zs)
        rhs_rows.append(zt)
    s_aug = jnp.stack(lhs_cols, axis=1).astype(jnp.bfloat16)
    t_aug_t = jnp.stack(rhs_rows, axis=0).astype(jnp.bfloat16)

    seg3 = segment.astype(jnp.int32).reshape(N_SB, 1, BS)
    b2 = b.reshape(1, NUM_CLASSES)
    wt_p = jnp.pad(Wt, ((0, 0), (0, C_PAD - NUM_CLASSES)))
    bt_p = jnp.pad(bt, (0, C_PAD - NUM_CLASSES)).reshape(1, C_PAD)

    idx3, ce_part, s_logits, t_logits = pl.pallas_call(
        _body_a,
        grid=(N_SB,),
        in_specs=[
            pl.BlockSpec((BS, KSPLIT), lambda i: (i, 0)),
            pl.BlockSpec((KSPLIT, NT_PAD), lambda i: (0, 0)),
            pl.BlockSpec((BS, D_FEAT), lambda i: (i, 0)),
            pl.BlockSpec((N_T, D_FEAT), lambda i: (0, 0)),
            pl.BlockSpec((D_FEAT, NUM_CLASSES), lambda i: (0, 0)),
            pl.BlockSpec((1, NUM_CLASSES), lambda i: (0, 0)),
            pl.BlockSpec((D_FEAT, C_PAD), lambda i: (0, 0)),
            pl.BlockSpec((1, C_PAD), lambda i: (0, 0)),
            pl.BlockSpec((1, 1, BS), lambda i: (i, 0, 0)),
        ],
        out_specs=[
            pl.BlockSpec((1, 1, BS), lambda i: (i, 0, 0)),
            pl.BlockSpec((1, 1, 128), lambda i: (i, 0, 0)),
            pl.BlockSpec((BS, NUM_CLASSES), lambda i: (i, 0)),
            pl.BlockSpec((N_T, C_PAD), lambda i: (0, 0)),
        ],
        out_shape=[
            jax.ShapeDtypeStruct((N_SB, 1, BS), jnp.int32),
            jax.ShapeDtypeStruct((N_SB, 1, 128), jnp.float32),
            jax.ShapeDtypeStruct((N_S, NUM_CLASSES), jnp.float32),
            jax.ShapeDtypeStruct((N_T, C_PAD), jnp.float32),
        ],
    )(s_aug, t_aug_t, s_feat, t_feat, W, b2, wt_p, bt_p, seg3)

    idx_pad = jnp.pad(idx3.reshape(N_S), (0, B_PAD - N_S))
    matched = _make_sc_gather()(t_logits, idx_pad)

    kl_part = pl.pallas_call(
        _body_c,
        grid=(1,),
        in_specs=[
            pl.BlockSpec((N_S, C_PAD), lambda i: (0, 0)),
            pl.BlockSpec((N_S, NUM_CLASSES), lambda i: (0, 0)),
        ],
        out_specs=pl.BlockSpec((1, 128), lambda i: (0, 0)),
        out_shape=jax.ShapeDtypeStruct((1, 128), jnp.float32),
    )(matched, s_logits)

    seg_loss = jnp.sum(ce_part[:, 0, 0]) / N_S
    kl1 = kl_part[0, 0] / N_S * (TEMP ** 2)
    kl_loss = 0.2 * kl1
    total_loss = seg_loss + kl_loss
    return (total_loss, seg_loss, kl_loss)

# --- scband reference (transcript-rebuilt; emitter-appended) ---
"""Pipeline reference for scband-matches-layer-distillation-segmentor-v5-84361747628534 (READ-ONLY COPY).

The authoritative reference and input builder live on the scoring server;
editing this copy changes nothing except your own understanding.
"""

import jax, jax.numpy as jnp
import numpy as np

N_S = 10000
N_T = 10000
D_FEAT = 64
NUM_CLASSES = 22
TEMP = 2.0


def setup_inputs(seed: int = 0) -> dict:
    key = jax.random.key(seed)
    ks = jax.random.split(key, 9)
    s_feat = jax.random.normal(ks[0], (N_S, D_FEAT), dtype=jnp.float32)
    t_feat = jax.random.normal(ks[1], (N_T, D_FEAT), dtype=jnp.float32)
    student_coords = jax.random.uniform(ks[2], (N_S, 3), dtype=jnp.float32) * 10.0
    teacher_coords = jax.random.uniform(ks[3], (N_T, 3), dtype=jnp.float32) * 10.0
    W = jax.random.normal(ks[4], (D_FEAT, NUM_CLASSES), dtype=jnp.float32) * 0.05
    b = jnp.zeros((NUM_CLASSES,), dtype=jnp.float32)
    Wt = jax.random.normal(ks[5], (D_FEAT, NUM_CLASSES), dtype=jnp.float32) * 0.05
    bt = jnp.zeros((NUM_CLASSES,), dtype=jnp.float32)
    segment = jax.random.randint(ks[6], (N_S,), 0, NUM_CLASSES, dtype=jnp.int32).astype(jnp.int64)
    return {
        "s_feat": s_feat,
        "t_feat": t_feat,
        "student_coords": student_coords,
        "teacher_coords": teacher_coords,
        "W": W,
        "b": b,
        "Wt": Wt,
        "bt": bt,
        "segment": segment,
    }


def _knn_idx(teacher_coords, student_coords):
    # For each student point, index of nearest teacher point (k=1 brute-force kNN).
    s2 = jnp.sum(student_coords * student_coords, axis=1, keepdims=True)  # [N_S, 1]
    t2 = jnp.sum(teacher_coords * teacher_coords, axis=1, keepdims=True)  # [N_T, 1]
    d2 = s2 + t2.T - 2.0 * (student_coords @ teacher_coords.T)  # [N_S, N_T]
    idx = jnp.argmin(d2, axis=1)
    return idx


def reference(s_feat, t_feat, student_coords, teacher_coords, W, b, Wt, bt, segment):
    # student head
    seg_logits = s_feat @ W + b  # [N_S, C]
    # teacher head (frozen / no_grad in torch)
    t_seg_logits = t_feat @ Wt + bt  # [N_T, C]

    # match_teacher_logits_to_student with k=1
    idx = _knn_idx(teacher_coords, student_coords)  # [N_S]
    matched_teacher_logits = jnp.take(t_seg_logits, idx, axis=0)  # [N_S, C]

    # KL distillation, matching F.kl_div(log_softmax(s/T), softmax(t/T), 'batchmean') * T^2
    student_logp = jax.nn.log_softmax(seg_logits / TEMP, axis=1)
    teacher_p = jax.nn.softmax(matched_teacher_logits / TEMP, axis=1)
    teacher_logp = jax.nn.log_softmax(matched_teacher_logits / TEMP, axis=1)
    kl1 = jnp.sum(teacher_p * (teacher_logp - student_logp)) / seg_logits.shape[0] * (TEMP ** 2)
    kl_loss = 0.2 * kl1

    # criteria: cross-entropy segmentation loss (mean reduction)
    logp = jax.nn.log_softmax(seg_logits, axis=1)
    seg_loss = -jnp.mean(jnp.take_along_axis(logp, segment[:, None].astype(jnp.int32), axis=1)[:, 0])

    total_loss = seg_loss + kl_loss
    return (total_loss, seg_loss, kl_loss)

if __name__ == "__main__":
    import jax
    _d = setup_inputs()
    print(jax.jit(kernel)(*tuple(_d.values())))

</pallas_src>

<mosaic_0001>
#map = affine_map<(d0, d1) -> (0, 0)>
#map1 = affine_map<(d0, d1) -> (0)>
module attributes {stable_mosaic.version = 14 : i64} {
  func.func @_sc_gather(%arg0: i32, %arg1: i32, %arg2: memref<10000x128xf32, #tpu.memory_space<hbm>>, %arg3: memref<10240xi32, #tpu.memory_space<hbm>>, %arg4: memref<10240x128xf32, #tpu.memory_space<hbm>>, %arg5: memref<320xi32, #tpu.memory_space<vmem>>, %arg6: memref<320x128xf32, #tpu.memory_space<vmem>>, %arg7: memref<!tpu.dma_semaphore, #tpu.memory_space<semaphore_mem>>) attributes {dimension_semantics = [#tpu.dimension_semantics<core_parallel>, #tpu.dimension_semantics<subcore_parallel>], iteration_bounds = array<i64: 2, 16>, scalar_prefetch = 0 : i64, scratch_operands = 3 : i64, tpu.core_type = #tpu.core_type<sc_vector_subcore>, window_params = [{transform_indices = #map}, {transform_indices = #map1}, {transform_indices = #map}]} {
    %mul3A = arith.constant 2 : i32
    %mul3A_0 = arith.muli %arg1, %mul3A : i32
    %add3A = arith.addi %mul3A_0, %arg0 : i32
    %mul3A_1 = arith.constant 320 : i32
    %mul3A_2 = arith.muli %add3A, %mul3A_1 : i32
    "tpu.region"() ({
      %run_scoped3A = tpu.sem_alloc : memref<!tpu.dma_semaphore, #tpu.memory_space<semaphore_mem>>
      %dma_start3A_7 = tpu.memref_slice %arg3[%mul3A_2] : memref<10240xi32, #tpu.memory_space<hbm>> -> memref<320xi32, #tpu.memory_space<hbm>>
      %dma_start3A_8 = tpu.memref_slice %arg3[%mul3A_2] : memref<10240xi32, #tpu.memory_space<hbm>> -> memref<320xi32, #tpu.memory_space<hbm>>
      tpu.enqueue_dma source(%dma_start3A_8 : memref<320xi32, #tpu.memory_space<hbm>>) target(%arg5 : memref<320xi32, #tpu.memory_space<vmem>>) target_semaphore(%run_scoped3A : memref<!tpu.dma_semaphore, #tpu.memory_space<semaphore_mem>>)
      %dma_wait3A_9 = tpu.memref_slice %arg3[%mul3A_2] : memref<10240xi32, #tpu.memory_space<hbm>> -> memref<320xi32, #tpu.memory_space<hbm>>
      %dma_wait3A_10 = tpu.memref_slice %arg3[%mul3A_2] : memref<10240xi32, #tpu.memory_space<hbm>> -> memref<320xi32, #tpu.memory_space<hbm>>
      tpu.wait_dma2 semaphore(%run_scoped3A : memref<!tpu.dma_semaphore, #tpu.memory_space<semaphore_mem>>) src(%dma_wait3A_10 : memref<320xi32, #tpu.memory_space<hbm>>) dst(%arg5 : memref<320xi32, #tpu.memory_space<vmem>>)
      tpu.yield
    }) : () -> ()
    %dma_start3A = arith.constant 0 : i32
    %dma_start3A_3 = arith.constant 0 : i32
    %dma_start3A_4 = tpu.memref_slice %arg2[%dma_start3A, %dma_start3A_3] : memref<10000x128xf32, #tpu.memory_space<hbm>> -> memref<10000x128xf32, #tpu.memory_space<hbm>>
    tpu.enqueue_indirect_dma source(%dma_start3A_4 : memref<10000x128xf32, #tpu.memory_space<hbm>>) target(%arg6 : memref<320x128xf32, #tpu.memory_space<vmem>>) offsets(%arg5 : memref<320xi32, #tpu.memory_space<vmem>>) semaphore(%arg7 : memref<!tpu.dma_semaphore, #tpu.memory_space<semaphore_mem>>)
    %dma_wait3A = arith.constant 0 : i32
    %dma_wait3A_5 = arith.constant 0 : i32
    %dma_wait3A_6 = tpu.memref_slice %arg2[%dma_wait3A, %dma_wait3A_5] : memref<10000x128xf32, #tpu.memory_space<hbm>> -> memref<10000x128xf32, #tpu.memory_space<hbm>>
    tpu.wait_indirect_dma semaphore(%arg7 : memref<!tpu.dma_semaphore, #tpu.memory_space<semaphore_mem>>) src(%dma_wait3A_6 : memref<10000x128xf32, #tpu.memory_space<hbm>>) dst(%arg6 : memref<320x128xf32, #tpu.memory_space<vmem>>)
    "tpu.region"() ({
      %run_scoped3A = tpu.sem_alloc : memref<!tpu.dma_semaphore, #tpu.memory_space<semaphore_mem>>
      %dma_start3A_7 = arith.constant 0 : i32
      %dma_start3A_8 = tpu.memref_slice %arg4[%mul3A_2, %dma_start3A_7] : memref<10240x128xf32, #tpu.memory_space<hbm>> -> memref<320x128xf32, #tpu.memory_space<hbm>>
      %dma_start3A_9 = arith.constant 0 : i32
      %dma_start3A_10 = tpu.memref_slice %arg4[%mul3A_2, %dma_start3A_9] : memref<10240x128xf32, #tpu.memory_space<hbm>> -> memref<320x128xf32, #tpu.memory_space<hbm>>
      tpu.enqueue_dma source(%arg6 : memref<320x128xf32, #tpu.memory_space<vmem>>) target(%dma_start3A_10 : memref<320x128xf32, #tpu.memory_space<hbm>>) target_semaphore(%run_scoped3A : memref<!tpu.dma_semaphore, #tpu.memory_space<semaphore_mem>>)
      %dma_wait3A_11 = arith.constant 0 : i32
      %dma_wait3A_12 = tpu.memref_slice %arg4[%mul3A_2, %dma_wait3A_11] : memref<10240x128xf32, #tpu.memory_space<hbm>> -> memref<320x128xf32, #tpu.memory_space<hbm>>
      %dma_wait3A_13 = arith.constant 0 : i32
      %dma_wait3A_14 = tpu.memref_slice %arg4[%mul3A_2, %dma_wait3A_13] : memref<10240x128xf32, #tpu.memory_space<hbm>> -> memref<320x128xf32, #tpu.memory_space<hbm>>
      tpu.wait_dma2 semaphore(%run_scoped3A : memref<!tpu.dma_semaphore, #tpu.memory_space<semaphore_mem>>) src(%arg6 : memref<320x128xf32, #tpu.memory_space<vmem>>) dst(%dma_wait3A_14 : memref<320x128xf32, #tpu.memory_space<hbm>>)
      tpu.yield
    }) : () -> ()
    return
  }
}

module attributes {stable_mosaic.version = 14 : i64} {
  func.func @_body_a(%arg0: i32, %arg1: memref<1000x32xbf16, #tpu.memory_space<vmem>>, %arg2: memref<32x10240xbf16, #tpu.memory_space<vmem>>, %arg3: memref<1000x64xf32, #tpu.memory_space<vmem>>, %arg4: memref<10000x64xf32, #tpu.memory_space<vmem>>, %arg5: memref<64x22xf32, #tpu.memory_space<vmem>>, %arg6: memref<1x22xf32, #tpu.memory_space<vmem>>, %arg7: memref<64x128xf32, #tpu.memory_space<vmem>>, %arg8: memref<1x128xf32, #tpu.memory_space<vmem>>, %arg9: memref<1x1x1000xi32, #tpu.memory_space<vmem>>, %arg10: memref<1x1x1000xi32, #tpu.memory_space<vmem>>, %arg11: memref<1x1x128xf32, #tpu.memory_space<vmem>>, %arg12: memref<1000x22xf32, #tpu.memory_space<vmem>>, %arg13: memref<10000x128xf32, #tpu.memory_space<vmem>>) attributes {dimension_semantics = [#tpu.dimension_semantics<arbitrary>], iteration_bounds = array<i64: 10>, scalar_prefetch = 0 : i64, scratch_operands = 0 : i64, tpu.core_type = #tpu.core_type<tc>, window_params = [{transform_indices = @transform_0, window_bounds = array<i64: 1000, 32>}, {pipeline_mode = #tpu.pipeline_mode<synchronous>, transform_indices = @transform_1, window_bounds = array<i64: 32, 10240>}, {transform_indices = @transform_2, window_bounds = array<i64: 1000, 64>}, {pipeline_mode = #tpu.pipeline_mode<synchronous>, transform_indices = @transform_3, window_bounds = array<i64: 10000, 64>}, {pipeline_mode = #tpu.pipeline_mode<synchronous>, transform_indices = @transform_4, window_bounds = array<i64: 64, 22>}, {pipeline_mode = #tpu.pipeline_mode<synchronous>, transform_indices = @transform_5, window_bounds = array<i64: 1, 22>}, {pipeline_mode = #tpu.pipeline_mode<synchronous>, transform_indices = @transform_6, window_bounds = array<i64: 64, 128>}, {pipeline_mode = #tpu.pipeline_mode<synchronous>, transform_indices = @transform_7, window_bounds = array<i64: 1, 128>}, {transform_indices = @transform_8, window_bounds = array<i64: 1, 1, 1000>}, {transform_indices = @transform_9, window_bounds = array<i64: 1, 1, 1000>}, {transform_indices = @transform_10, window_bounds = array<i64: 1, 1, 128>}, {transform_indices = @transform_11, window_bounds = array<i64: 1000, 22>}, {pipeline_mode = #tpu.pipeline_mode<synchronous>, transform_indices = @transform_12, window_bounds = array<i64: 10000, 128>}]} {
    %eq3A = arith.constant 0 : i32
    %eq3A_0 = arith.cmpi eq, %arg0, %eq3A : i32
    %convert_element_type3A = arith.extui %eq3A_0 : i1 to i32
    %cond3A = arith.constant 0 : i32
    %cond3A_1 = arith.cmpi ne, %convert_element_type3A, %cond3A : i32
    scf.if %cond3A_1 {
      %get3A_163 = arith.constant 0 : index
      %get3A_164 = arith.constant 0 : index
      %get3A_165 = vector.load %arg4[%get3A_163, %get3A_164] : memref<10000x64xf32, #tpu.memory_space<vmem>>, vector<10000x64xf32>
      %get3A_166 = arith.constant 0 : index
      %get3A_167 = arith.constant 0 : index
      %get3A_168 = vector.load %arg7[%get3A_166, %get3A_167] : memref<64x128xf32, #tpu.memory_space<vmem>>, vector<64x128xf32>
      %dot_general3A_169 = arith.constant dense<0.000000e+00> : vector<10000x128xf32>
      %dot_general3A_170 = tpu.matmul %get3A_165, %get3A_168, %dot_general3A_169 {dimension_numbers = #tpu.dot_dimension_numbers<[1], [0], [0], [1], [0, 0, 1, 1], [], []>, transpose_lhs_hint = false} : vector<10000x64xf32>, vector<64x128xf32>, vector<10000x128xf32> -> vector<10000x128xf32>
      %get3A_171 = arith.constant 0 : index
      %get3A_172 = arith.constant 0 : index
      %get3A_173 = vector.load %arg8[%get3A_171, %get3A_172] : memref<1x128xf32, #tpu.memory_space<vmem>>, vector<1x128xf32>
      %add3A_174 = vector.broadcast %get3A_173 : vector<1x128xf32> to vector<10000x128xf32>
      %add3A_175 = arith.addf %dot_general3A_170, %add3A_174 : vector<10000x128xf32>
      %swap3A_176 = arith.constant 0 : index
      %swap3A_177 = arith.constant 0 : index
      %swap3A_178 = vector.load %arg13[%swap3A_176, %swap3A_177] : memref<10000x128xf32, #tpu.memory_space<vmem>>, vector<10000x128xf32>
      tpu.vector_store %arg13[%swap3A_176, %swap3A_177], %add3A_175 {strides = array<i32>} : memref<10000x128xf32, #tpu.memory_space<vmem>>, vector<10000x128xf32>,
    } else {
    }
    %get3A = arith.constant 0 : index
    %get3A_2 = arith.constant 0 : index
    %get3A_3 = vector.load %arg1[%get3A, %get3A_2] : memref<1000x32xbf16, #tpu.memory_space<vmem>>, vector<1000x32xbf16>
    %broadcast_in_dim3A = arith.constant 0xFF800000 : f32
    %broadcast_in_dim3A_4 = vector.broadcast %broadcast_in_dim3A : f32 to vector<1000x1xf32>
    %broadcast_in_dim3A_5 = arith.constant 0 : i32
    %broadcast_in_dim3A_6 = vector.broadcast %broadcast_in_dim3A_5 : i32 to vector<1000x1xi32>
    %get3A_7 = arith.constant 0 : index
    %get3A_8 = arith.constant 0 : index
    %get3A_9 = vector.load %arg2[%get3A_7, %get3A_8] : memref<32x10240xbf16, #tpu.memory_space<vmem>>, vector<32x2048xbf16>
    %dot_general3A = arith.constant dense<0.000000e+00> : vector<1000x2048xf32>
    %dot_general3A_10 = tpu.matmul %get3A_3, %get3A_9, %dot_general3A {dimension_numbers = #tpu.dot_dimension_numbers<[1], [0], [0], [1], [0, 0, 1, 1], [], []>, transpose_lhs_hint = false} : vector<1000x32xbf16>, vector<32x2048xbf16>, vector<1000x2048xf32> -> vector<1000x2048xf32>
    %reduce_max3A = arith.constant dense<0xFF800000> : vector<1000xf32>
    %reduce_max3A_11 = vector.multi_reduction <maximumf>, %dot_general3A_10, %reduce_max3A [1] : vector<1000x2048xf32> to vector<1000xf32>
    %broadcast_in_dim3A_12 = vector.shape_cast %reduce_max3A_11 : vector<1000xf32> to vector<1000x1xf32>
    %iota3A = tpu.iota {dimensions = array<i32: 1>} : vector<1000x2048xi32>
    %add3A = arith.constant 0 : i32
    %add3A_13 = vector.broadcast %add3A : i32 to vector<1000x2048xi32>
    %add3A_14 = arith.addi %iota3A, %add3A_13 : vector<1000x2048xi32>
    %eq3A_15 = vector.broadcast %broadcast_in_dim3A_12 : vector<1000x1xf32> to vector<1000x2048xf32>
    %eq3A_16 = arith.cmpf oeq, %dot_general3A_10, %eq3A_15 : vector<1000x2048xf32>
    %jit3A = arith.constant 1073741824 : i32
    %broadcast_in_dim3A_17 = vector.broadcast %jit3A : i32 to vector<1000x2048xi32>
    %select_n3A = arith.select %eq3A_16, %add3A_14, %broadcast_in_dim3A_17 : vector<1000x2048xi1>, vector<1000x2048xi32>
    %reduce_min3A = arith.constant dense<2147483647> : vector<1000xi32>
    %reduce_min3A_18 = vector.multi_reduction <minsi>, %select_n3A, %reduce_min3A [1] : vector<1000x2048xi32> to vector<1000xi32>
    %broadcast_in_dim3A_19 = vector.shape_cast %reduce_min3A_18 : vector<1000xi32> to vector<1000x1xi32>
    %gt3A = arith.cmpf ogt, %broadcast_in_dim3A_12, %broadcast_in_dim3A_4 : vector<1000x1xf32>
    %select_n3A_20 = arith.select %gt3A, %broadcast_in_dim3A_12, %broadcast_in_dim3A_4 : vector<1000x1xi1>, vector<1000x1xf32>
    %select_n3A_21 = arith.select %gt3A, %broadcast_in_dim3A_19, %broadcast_in_dim3A_6 : vector<1000x1xi1>, vector<1000x1xi32>
    %get3A_22 = arith.constant 0 : index
    %get3A_23 = arith.constant 2048 : index
    %get3A_24 = vector.load %arg2[%get3A_22, %get3A_23] : memref<32x10240xbf16, #tpu.memory_space<vmem>>, vector<32x2048xbf16>
    %dot_general3A_25 = arith.constant dense<0.000000e+00> : vector<1000x2048xf32>
    %dot_general3A_26 = tpu.matmul %get3A_3, %get3A_24, %dot_general3A_25 {dimension_numbers = #tpu.dot_dimension_numbers<[1], [0], [0], [1], [0, 0, 1, 1], [], []>, transpose_lhs_hint = false} : vector<1000x32xbf16>, vector<32x2048xbf16>, vector<1000x2048xf32> -> vector<1000x2048xf32>
    %reduce_max3A_27 = arith.constant dense<0xFF800000> : vector<1000xf32>
    %reduce_max3A_28 = vector.multi_reduction <maximumf>, %dot_general3A_26, %reduce_max3A_27 [1] : vector<1000x2048xf32> to vector<1000xf32>
    %broadcast_in_dim3A_29 = vector.shape_cast %reduce_max3A_28 : vector<1000xf32> to vector<1000x1xf32>
    %iota3A_30 = tpu.iota {dimensions = array<i32: 1>} : vector<1000x2048xi32>
    %add3A_31 = arith.constant 2048 : i32
    %add3A_32 = vector.broadcast %add3A_31 : i32 to vector<1000x2048xi32>
    %add3A_33 = arith.addi %iota3A_30, %add3A_32 : vector<1000x2048xi32>
    %eq3A_34 = vector.broadcast %broadcast_in_dim3A_29 : vector<1000x1xf32> to vector<1000x2048xf32>
    %eq3A_35 = arith.cmpf oeq, %dot_general3A_26, %eq3A_34 : vector<1000x2048xf32>
    %jit3A_36 = arith.constant 1073741824 : i32
    %broadcast_in_dim3A_37 = vector.broadcast %jit3A_36 : i32 to vector<1000x2048xi32>
    %select_n3A_38 = arith.select %eq3A_35, %add3A_33, %broadcast_in_dim3A_37 : vector<1000x2048xi1>, vector<1000x2048xi32>
    %reduce_min3A_39 = arith.constant dense<2147483647> : vector<1000xi32>
    %reduce_min3A_40 = vector.multi_reduction <minsi>, %select_n3A_38, %reduce_min3A_39 [1] : vector<1000x2048xi32> to vector<1000xi32>
    %broadcast_in_dim3A_41 = vector.shape_cast %reduce_min3A_40 : vector<1000xi32> to vector<1000x1xi32>
    %gt3A_42 = arith.cmpf ogt, %broadcast_in_dim3A_29, %select_n3A_20 : vector<1000x1xf32>
    %select_n3A_43 = arith.select %gt3A_42, %broadcast_in_dim3A_29, %select_n3A_20 : vector<1000x1xi1>, vector<1000x1xf32>
    %select_n3A_44 = arith.select %gt3A_42, %broadcast_in_dim3A_41, %select_n3A_21 : vector<1000x1xi1>, vector<1000x1xi32>
    %get3A_45 = arith.constant 0 : index
    %get3A_46 = arith.constant 4096 : index
    %get3A_47 = vector.load %arg2[%get3A_45, %get3A_46] : memref<32x10240xbf16, #tpu.memory_space<vmem>>, vector<32x2048xbf16>
    %dot_general3A_48 = arith.constant dense<0.000000e+00> : vector<1000x2048xf32>
    %dot_general3A_49 = tpu.matmul %get3A_3, %get3A_47, %dot_general3A_48 {dimension_numbers = #tpu.dot_dimension_numbers<[1], [0], [0], [1], [0, 0, 1, 1], [], []>, transpose_lhs_hint = false} : vector<1000x32xbf16>, vector<32x2048xbf16>, vector<1000x2048xf32> -> vector<1000x2048xf32>
    %reduce_max3A_50 = arith.constant dense<0xFF800000> : vector<1000xf32>
    %reduce_max3A_51 = vector.multi_reduction <maximumf>, %dot_general3A_49, %reduce_max3A_50 [1] : vector<1000x2048xf32> to vector<1000xf32>
    %broadcast_in_dim3A_52 = vector.shape_cast %reduce_max3A_51 : vector<1000xf32> to vector<1000x1xf32>
    %iota3A_53 = tpu.iota {dimensions = array<i32: 1>} : vector<1000x2048xi32>
    %add3A_54 = arith.constant 4096 : i32
    %add3A_55 = vector.broadcast %add3A_54 : i32 to vector<1000x2048xi32>
    %add3A_56 = arith.addi %iota3A_53, %add3A_55 : vector<1000x2048xi32>
    %eq3A_57 = vector.broadcast %broadcast_in_dim3A_52 : vector<1000x1xf32> to vector<1000x2048xf32>
    %eq3A_58 = arith.cmpf oeq, %dot_general3A_49, %eq3A_57 : vector<1000x2048xf32>
    %jit3A_59 = arith.constant 1073741824 : i32
    %broadcast_in_dim3A_60 = vector.broadcast %jit3A_59 : i32 to vector<1000x2048xi32>
    %select_n3A_61 = arith.select %eq3A_58, %add3A_56, %broadcast_in_dim3A_60 : vector<1000x2048xi1>, vector<1000x2048xi32>
    %reduce_min3A_62 = arith.constant dense<2147483647> : vector<1000xi32>
    %reduce_min3A_63 = vector.multi_reduction <minsi>, %select_n3A_61, %reduce_min3A_62 [1] : vector<1000x2048xi32> to vector<1000xi32>
    %broadcast_in_dim3A_64 = vector.shape_cast %reduce_min3A_63 : vector<1000xi32> to vector<1000x1xi32>
    %gt3A_65 = arith.cmpf ogt, %broadcast_in_dim3A_52, %select_n3A_43 : vector<1000x1xf32>
    %select_n3A_66 = arith.select %gt3A_65, %broadcast_in_dim3A_52, %select_n3A_43 : vector<1000x1xi1>, vector<1000x1xf32>
    %select_n3A_67 = arith.select %gt3A_65, %broadcast_in_dim3A_64, %select_n3A_44 : vector<1000x1xi1>, vector<1000x1xi32>
    %get3A_68 = arith.constant 0 : index
    %get3A_69 = arith.constant 6144 : index
    %get3A_70 = vector.load %arg2[%get3A_68, %get3A_69] : memref<32x10240xbf16, #tpu.memory_space<vmem>>, vector<32x2048xbf16>
    %dot_general3A_71 = arith.constant dense<0.000000e+00> : vector<1000x2048xf32>
    %dot_general3A_72 = tpu.matmul %get3A_3, %get3A_70, %dot_general3A_71 {dimension_numbers = #tpu.dot_dimension_numbers<[1], [0], [0], [1], [0, 0, 1, 1], [], []>, transpose_lhs_hint = false} : vector<1000x32xbf16>, vector<32x2048xbf16>, vector<1000x2048xf32> -> vector<1000x2048xf32>
    %reduce_max3A_73 = arith.constant dense<0xFF800000> : vector<1000xf32>
    %reduce_max3A_74 = vector.multi_reduction <maximumf>, %dot_general3A_72, %reduce_max3A_73 [1] : vector<1000x2048xf32> to vector<1000xf32>
    %broadcast_in_dim3A_75 = vector.shape_cast %reduce_max3A_74 : vector<1000xf32> to vector<1000x1xf32>
    %iota3A_76 = tpu.iota {dimensions = array<i32: 1>} : vector<1000x2048xi32>
    %add3A_77 = arith.constant 6144 : i32
    %add3A_78 = vector.broadcast %add3A_77 : i32 to vector<1000x2048xi32>
    %add3A_79 = arith.addi %iota3A_76, %add3A_78 : vector<1000x2048xi32>
    %eq3A_80 = vector.broadcast %broadcast_in_dim3A_75 : vector<1000x1xf32> to vector<1000x2048xf32>
    %eq3A_81 = arith.cmpf oeq, %dot_general3A_72, %eq3A_80 : vector<1000x2048xf32>
    %jit3A_82 = arith.constant 1073741824 : i32
    %broadcast_in_dim3A_83 = vector.broadcast %jit3A_82 : i32 to vector<1000x2048xi32>
    %select_n3A_84 = arith.select %eq3A_81, %add3A_79, %broadcast_in_dim3A_83 : vector<1000x2048xi1>, vector<1000x2048xi32>
    %reduce_min3A_85 = arith.constant dense<2147483647> : vector<1000xi32>
    %reduce_min3A_86 = vector.multi_reduction <minsi>, %select_n3A_84, %reduce_min3A_85 [1] : vector<1000x2048xi32> to vector<1000xi32>
    %broadcast_in_dim3A_87 = vector.shape_cast %reduce_min3A_86 : vector<1000xi32> to vector<1000x1xi32>
    %gt3A_88 = arith.cmpf ogt, %broadcast_in_dim3A_75, %select_n3A_66 : vector<1000x1xf32>
    %select_n3A_89 = arith.select %gt3A_88, %broadcast_in_dim3A_75, %select_n3A_66 : vector<1000x1xi1>, vector<1000x1xf32>
    %select_n3A_90 = arith.select %gt3A_88, %broadcast_in_dim3A_87, %select_n3A_67 : vector<1000x1xi1>, vector<1000x1xi32>
    %get3A_91 = arith.constant 0 : index
    %get3A_92 = arith.constant 8192 : index
    %get3A_93 = vector.load %arg2[%get3A_91, %get3A_92] : memref<32x10240xbf16, #tpu.memory_space<vmem>>, vector<32x2048xbf16>
    %dot_general3A_94 = arith.constant dense<0.000000e+00> : vector<1000x2048xf32>
    %dot_general3A_95 = tpu.matmul %get3A_3, %get3A_93, %dot_general3A_94 {dimension_numbers = #tpu.dot_dimension_numbers<[1], [0], [0], [1], [0, 0, 1, 1], [], []>, transpose_lhs_hint = false} : vector<1000x32xbf16>, vector<32x2048xbf16>, vector<1000x2048xf32> -> vector<1000x2048xf32>
    %reduce_max3A_96 = arith.constant dense<0xFF800000> : vector<1000xf32>
    %reduce_max3A_97 = vector.multi_reduction <maximumf>, %dot_general3A_95, %reduce_max3A_96 [1] : vector<1000x2048xf32> to vector<1000xf32>
    %broadcast_in_dim3A_98 = vector.shape_cast %reduce_max3A_97 : vector<1000xf32> to vector<1000x1xf32>
    %iota3A_99 = tpu.iota {dimensions = array<i32: 1>} : vector<1000x2048xi32>
    %add3A_100 = arith.constant 8192 : i32
    %add3A_101 = vector.broadcast %add3A_100 : i32 to vector<1000x2048xi32>
    %add3A_102 = arith.addi %iota3A_99, %add3A_101 : vector<1000x2048xi32>
    %eq3A_103 = vector.broadcast %broadcast_in_dim3A_98 : vector<1000x1xf32> to vector<1000x2048xf32>
    %eq3A_104 = arith.cmpf oeq, %dot_general3A_95, %eq3A_103 : vector<1000x2048xf32>
    %jit3A_105 = arith.constant 1073741824 : i32
    %broadcast_in_dim3A_106 = vector.broadcast %jit3A_105 : i32 to vector<1000x2048xi32>
    %select_n3A_107 = arith.select %eq3A_104, %add3A_102, %broadcast_in_dim3A_106 : vector<1000x2048xi1>, vector<1000x2048xi32>
    %reduce_min3A_108 = arith.constant dense<2147483647> : vector<1000xi32>
    %reduce_min3A_109 = vector.multi_reduction <minsi>, %select_n3A_107, %reduce_min3A_108 [1] : vector<1000x2048xi32> to vector<1000xi32>
    %broadcast_in_dim3A_110 = vector.shape_cast %reduce_min3A_109 : vector<1000xi32> to vector<1000x1xi32>
    %gt3A_111 = arith.cmpf ogt, %broadcast_in_dim3A_98, %select_n3A_89 : vector<1000x1xf32>
    %select_n3A_112 = arith.select %gt3A_111, %broadcast_in_dim3A_110, %select_n3A_90 : vector<1000x1xi1>, vector<1000x1xi32>
    %squeeze3A = vector.shape_cast %select_n3A_112 : vector<1000x1xi32> to vector<1000xi32>
    %reshape3A = vector.shape_cast %squeeze3A : vector<1000xi32> to vector<1x1x1000xi32>
    %swap3A = arith.constant 0 : index
    %swap3A_113 = arith.constant 0 : index
    %swap3A_114 = arith.constant 0 : index
    %swap3A_115 = vector.load %arg10[%swap3A, %swap3A_113, %swap3A_114] : memref<1x1x1000xi32, #tpu.memory_space<vmem>>, vector<1x1x1000xi32>
    tpu.vector_store %arg10[%swap3A, %swap3A_113, %swap3A_114], %reshape3A {strides = array<i32>} : memref<1x1x1000xi32, #tpu.memory_space<vmem>>, vector<1x1x1000xi32>,
    %get3A_116 = arith.constant 0 : index
    %get3A_117 = arith.constant 0 : index
    %get3A_118 = vector.load %arg3[%get3A_116, %get3A_117] : memref<1000x64xf32, #tpu.memory_space<vmem>>, vector<1000x64xf32>
    %get3A_119 = arith.constant 0 : index
    %get3A_120 = arith.constant 0 : index
    %get3A_121 = vector.load %arg5[%get3A_119, %get3A_120] : memref<64x22xf32, #tpu.memory_space<vmem>>, vector<64x22xf32>
    %dot_general3A_122 = arith.constant dense<0.000000e+00> : vector<1000x22xf32>
    %dot_general3A_123 = tpu.matmul %get3A_118, %get3A_121, %dot_general3A_122 {dimension_numbers = #tpu.dot_dimension_numbers<[1], [0], [0], [1], [0, 0, 1, 1], [], []>, transpose_lhs_hint = false} : vector<1000x64xf32>, vector<64x22xf32>, vector<1000x22xf32> -> vector<1000x22xf32>
    %get3A_124 = arith.constant 0 : index
    %get3A_125 = arith.constant 0 : index
    %get3A_126 = vector.load %arg6[%get3A_124, %get3A_125] : memref<1x22xf32, #tpu.memory_space<vmem>>, vector<1x22xf32>
    %add3A_127 = vector.broadcast %get3A_126 : vector<1x22xf32> to vector<1000x22xf32>
    %add3A_128 = arith.addf %dot_general3A_123, %add3A_127 : vector<1000x22xf32>
    %swap3A_129 = arith.constant 0 : index
    %swap3A_130 = arith.constant 0 : index
    %swap3A_131 = vector.load %arg12[%swap3A_129, %swap3A_130] : memref<1000x22xf32, #tpu.memory_space<vmem>>, vector<1000x22xf32>
    tpu.vector_store %arg12[%swap3A_129, %swap3A_130], %add3A_128 {strides = array<i32>} : memref<1000x22xf32, #tpu.memory_space<vmem>>, vector<1000x22xf32>,
    %reduce_max3A_132 = arith.constant dense<0xFF800000> : vector<1000xf32>
    %reduce_max3A_133 = vector.multi_reduction <maximumf>, %add3A_128, %reduce_max3A_132 [1] : vector<1000x22xf32> to vector<1000xf32>
    %broadcast_in_dim3A_134 = vector.shape_cast %reduce_max3A_133 : vector<1000xf32> to vector<1000x1xf32>
    %sub3A = vector.broadcast %broadcast_in_dim3A_134 : vector<1000x1xf32> to vector<1000x22xf32>
    %sub3A_135 = arith.subf %add3A_128, %sub3A : vector<1000x22xf32>
    %exp3A = math.exp %sub3A_135 : vector<1000x22xf32>
    %reduce_sum3A = arith.constant dense<0.000000e+00> : vector<1000xf32>
    %reduce_sum3A_136 = vector.multi_reduction <add>, %exp3A, %reduce_sum3A [1] : vector<1000x22xf32> to vector<1000xf32>
    %broadcast_in_dim3A_137 = vector.shape_cast %reduce_sum3A_136 : vector<1000xf32> to vector<1000x1xf32>
    %log3A = math.log %broadcast_in_dim3A_137 : vector<1000x1xf32>
    %sub3A_138 = vector.broadcast %log3A : vector<1000x1xf32> to vector<1000x22xf32>
    %sub3A_139 = arith.subf %sub3A_135, %sub3A_138 : vector<1000x22xf32>
    %get3A_140 = arith.constant 0 : index
    %get3A_141 = arith.constant 0 : index
    %get3A_142 = arith.constant 0 : index
    %get3A_143 = vector.load %arg9[%get3A_140, %get3A_141, %get3A_142] : memref<1x1x1000xi32, #tpu.memory_space<vmem>>, vector<1x1x1000xi32>
    %get3A_144 = vector.shape_cast %get3A_143 : vector<1x1x1000xi32> to vector<1000xi32>
    %iota3A_145 = tpu.iota {dimensions = array<i32: 1>} : vector<1000x22xi32>
    %broadcast_in_dim3A_146 = vector.shape_cast %get3A_144 : vector<1000xi32> to vector<1000x1xi32>
    %eq3A_147 = vector.broadcast %broadcast_in_dim3A_146 : vector<1000x1xi32> to vector<1000x22xi32>
    %eq3A_148 = arith.cmpi eq, %iota3A_145, %eq3A_147 : vector<1000x22xi32>
    %jit3A_149 = arith.constant 0.000000e+00 : f32
    %broadcast_in_dim3A_150 = vector.broadcast %jit3A_149 : f32 to vector<1000x22xf32>
    %select_n3A_151 = arith.select %eq3A_148, %sub3A_139, %broadcast_in_dim3A_150 : vector<1000x22xi1>, vector<1000x22xf32>
    %reduce_sum3A_152 = vector.shape_cast %select_n3A_151 : vector<1000x22xf32> to vector<1x1000x22xf32>
    %reduce_sum3A_153 = arith.constant dense<0.000000e+00> : vector<1xf32>
    %reduce_sum3A_154 = vector.multi_reduction <add>, %reduce_sum3A_152, %reduce_sum3A_153 [1, 2] : vector<1x1000x22xf32> to vector<1xf32>
    %reduce_sum3A_155 = vector.shape_cast %reduce_sum3A_154 : vector<1xf32> to vector<1x1x1xf32>
    %reduce_sum3A_156 = vector.extract %reduce_sum3A_155[0, 0, 0] : f32 from vector<1x1x1xf32>
    %neg3A = arith.constant 0.000000e+00 : f32
    %neg3A_157 = arith.subf %neg3A, %reduce_sum3A_156 : f32
    %broadcast_in_dim3A_158 = vector.broadcast %neg3A_157 : f32 to vector<1x1x128xf32>
    %swap3A_159 = arith.constant 0 : index
    %swap3A_160 = arith.constant 0 : index
    %swap3A_161 = arith.constant 0 : index
    %swap3A_162 = vector.load %arg11[%swap3A_159, %swap3A_160, %swap3A_161] : memref<1x1x128xf32, #tpu.memory_space<vmem>>, vector<1x1x128xf32>
    tpu.vector_store %arg11[%swap3A_159, %swap3A_160, %swap3A_161], %broadcast_in_dim3A_158 {strides = array<i32>} : memref<1x1x128xf32, #tpu.memory_space<vmem>>, vector<1x1x128xf32>,
    return
  }
  func.func @transform_0(%arg0: i32) -> (i32, i32) {
    %c0_i32 = arith.constant 0 : i32
    %c0_i32_0 = arith.constant 0 : i32
    return %arg0, %c0_i32 : i32, i32
  }
  func.func @transform_1(%arg0: i32) -> (i32, i32) {
    %c0_i32 = arith.constant 0 : i32
    %c0_i32_0 = arith.constant 0 : i32
    %c0_i32_1 = arith.constant 0 : i32
    return %c0_i32, %c0_i32_0 : i32, i32
  }
  func.func @transform_2(%arg0: i32) -> (i32, i32) {
    %c0_i32 = arith.constant 0 : i32
    %c0_i32_0 = arith.constant 0 : i32
    return %arg0, %c0_i32 : i32, i32
  }
  func.func @transform_3(%arg0: i32) -> (i32, i32) {
    %c0_i32 = arith.constant 0 : i32
    %c0_i32_0 = arith.constant 0 : i32
    %c0_i32_1 = arith.constant 0 : i32
    return %c0_i32, %c0_i32_0 : i32, i32
  }
  func.func @transform_4(%arg0: i32) -> (i32, i32) {
    %c0_i32 = arith.constant 0 : i32
    %c0_i32_0 = arith.constant 0 : i32
    %c0_i32_1 = arith.constant 0 : i32
    return %c0_i32, %c0_i32_0 : i32, i32
  }
  func.func @transform_5(%arg0: i32) -> (i32, i32) {
    %c0_i32 = arith.constant 0 : i32
    %c0_i32_0 = arith.constant 0 : i32
    %c0_i32_1 = arith.constant 0 : i32
    return %c0_i32, %c0_i32_0 : i32, i32
  }
  func.func @transform_6(%arg0: i32) -> (i32, i32) {
    %c0_i32 = arith.constant 0 : i32
    %c0_i32_0 = arith.constant 0 : i32
    %c0_i32_1 = arith.constant 0 : i32
    return %c0_i32, %c0_i32_0 : i32, i32
  }
  func.func @transform_7(%arg0: i32) -> (i32, i32) {
    %c0_i32 = arith.constant 0 : i32
    %c0_i32_0 = arith.constant 0 : i32
    %c0_i32_1 = arith.constant 0 : i32
    return %c0_i32, %c0_i32_0 : i32, i32
  }
  func.func @transform_8(%arg0: i32) -> (i32, i32, i32) {
    %c0_i32 = arith.constant 0 : i32
    %c0_i32_0 = arith.constant 0 : i32
    %c0_i32_1 = arith.constant 0 : i32
    return %arg0, %c0_i32, %c0_i32_0 : i32, i32, i32
  }
  func.func @transform_9(%arg0: i32) -> (i32, i32, i32) {
    %c0_i32 = arith.constant 0 : i32
    %c0_i32_0 = arith.constant 0 : i32
    %c0_i32_1 = arith.constant 0 : i32
    return %arg0, %c0_i32, %c0_i32_0 : i32, i32, i32
  }
  func.func @transform_10(%arg0: i32) -> (i32, i32, i32) {
    %c0_i32 = arith.constant 0 : i32
    %c0_i32_0 = arith.constant 0 : i32
    %c0_i32_1 = arith.constant 0 : i32
    return %arg0, %c0_i32, %c0_i32_0 : i32, i32, i32
  }
  func.func @transform_11(%arg0: i32) -> (i32, i32) {
    %c0_i32 = arith.constant 0 : i32
    %c0_i32_0 = arith.constant 0 : i32
    return %arg0, %c0_i32 : i32, i32
  }
  func.func @transform_12(%arg0: i32) -> (i32, i32) {
    %c0_i32 = arith.constant 0 : i32
    %c0_i32_0 = arith.constant 0 : i32
    %c0_i32_1 = arith.constant 0 : i32
    return %c0_i32, %c0_i32_0 : i32, i32
  }
}

module attributes {stable_mosaic.version = 14 : i64} {
  func.func @_body_c(%arg0: i32, %arg1: memref<10000x128xf32, #tpu.memory_space<vmem>>, %arg2: memref<10000x22xf32, #tpu.memory_space<vmem>>, %arg3: memref<1x128xf32, #tpu.memory_space<vmem>>) attributes {dimension_semantics = [#tpu.dimension_semantics<arbitrary>], iteration_bounds = array<i64: 1>, scalar_prefetch = 0 : i64, scratch_operands = 0 : i64, tpu.core_type = #tpu.core_type<tc>, window_params = [{transform_indices = @transform_0, window_bounds = array<i64: 10000, 128>}, {pipeline_mode = #tpu.pipeline_mode<synchronous>, transform_indices = @transform_1, window_bounds = array<i64: 10000, 22>}, {pipeline_mode = #tpu.pipeline_mode<synchronous>, transform_indices = @transform_2, window_bounds = array<i64: 1, 128>}]} {
    %get3A = arith.constant 0 : index
    %get3A_0 = arith.constant 0 : index
    %get3A_1 = vector.load %arg1[%get3A, %get3A_0] : memref<10000x128xf32, #tpu.memory_space<vmem>>, vector<10000x128xf32>
    %slice3A = vector.extract_strided_slice %get3A_1 {offsets = [0, 0], sizes = [10000, 22], strides = [1, 1]} : vector<10000x128xf32> to vector<10000x22xf32>
    %div3A = arith.constant 2.000000e+00 : f32
    %div3A_2 = vector.broadcast %div3A : f32 to vector<10000x22xf32>
    %div3A_3 = arith.divf %slice3A, %div3A_2 : vector<10000x22xf32>
    %get3A_4 = arith.constant 0 : index
    %get3A_5 = arith.constant 0 : index
    %get3A_6 = vector.load %arg2[%get3A_4, %get3A_5] : memref<10000x22xf32, #tpu.memory_space<vmem>>, vector<10000x22xf32>
    %div3A_7 = arith.constant 2.000000e+00 : f32
    %div3A_8 = vector.broadcast %div3A_7 : f32 to vector<10000x22xf32>
    %div3A_9 = arith.divf %get3A_6, %div3A_8 : vector<10000x22xf32>
    %reduce_max3A = arith.constant dense<0xFF800000> : vector<10000xf32>
    %reduce_max3A_10 = vector.multi_reduction <maximumf>, %div3A_9, %reduce_max3A [1] : vector<10000x22xf32> to vector<10000xf32>
    %broadcast_in_dim3A = vector.shape_cast %reduce_max3A_10 : vector<10000xf32> to vector<10000x1xf32>
    %sub3A = vector.broadcast %broadcast_in_dim3A : vector<10000x1xf32> to vector<10000x22xf32>
    %sub3A_11 = arith.subf %div3A_9, %sub3A : vector<10000x22xf32>
    %exp3A = math.exp %sub3A_11 : vector<10000x22xf32>
    %reduce_sum3A = arith.constant dense<0.000000e+00> : vector<10000xf32>
    %reduce_sum3A_12 = vector.multi_reduction <add>, %exp3A, %reduce_sum3A [1] : vector<10000x22xf32> to vector<10000xf32>
    %broadcast_in_dim3A_13 = vector.shape_cast %reduce_sum3A_12 : vector<10000xf32> to vector<10000x1xf32>
    %log3A = math.log %broadcast_in_dim3A_13 : vector<10000x1xf32>
    %sub3A_14 = vector.broadcast %log3A : vector<10000x1xf32> to vector<10000x22xf32>
    %sub3A_15 = arith.subf %sub3A_11, %sub3A_14 : vector<10000x22xf32>
    %reduce_max3A_16 = arith.constant dense<0xFF800000> : vector<10000xf32>
    %reduce_max3A_17 = vector.multi_reduction <maximumf>, %div3A_3, %reduce_max3A_16 [1] : vector<10000x22xf32> to vector<10000xf32>
    %broadcast_in_dim3A_18 = vector.shape_cast %reduce_max3A_17 : vector<10000xf32> to vector<10000x1xf32>
    %sub3A_19 = vector.broadcast %broadcast_in_dim3A_18 : vector<10000x1xf32> to vector<10000x22xf32>
    %sub3A_20 = arith.subf %div3A_3, %sub3A_19 : vector<10000x22xf32>
    %exp3A_21 = math.exp %sub3A_20 : vector<10000x22xf32>
    %reduce_sum3A_22 = arith.constant dense<0.000000e+00> : vector<10000xf32>
    %reduce_sum3A_23 = vector.multi_reduction <add>, %exp3A_21, %reduce_sum3A_22 [1] : vector<10000x22xf32> to vector<10000xf32>
    %broadcast_in_dim3A_24 = vector.shape_cast %reduce_sum3A_23 : vector<10000xf32> to vector<10000x1xf32>
    %log3A_25 = math.log %broadcast_in_dim3A_24 : vector<10000x1xf32>
    %sub3A_26 = vector.broadcast %log3A_25 : vector<10000x1xf32> to vector<10000x22xf32>
    %sub3A_27 = arith.subf %sub3A_20, %sub3A_26 : vector<10000x22xf32>
    %exp3A_28 = math.exp %sub3A_27 : vector<10000x22xf32>
    %sub3A_29 = arith.subf %sub3A_27, %sub3A_15 : vector<10000x22xf32>
    %mul3A = arith.mulf %exp3A_28, %sub3A_29 : vector<10000x22xf32>
    %reduce_sum3A_30 = vector.shape_cast %mul3A : vector<10000x22xf32> to vector<1x10000x22xf32>
    %reduce_sum3A_31 = arith.constant dense<0.000000e+00> : vector<1xf32>
    %reduce_sum3A_32 = vector.multi_reduction <add>, %reduce_sum3A_30, %reduce_sum3A_31 [1, 2] : vector<1x10000x22xf32> to vector<1xf32>
    %reduce_sum3A_33 = vector.shape_cast %reduce_sum3A_32 : vector<1xf32> to vector<1x1x1xf32>
    %reduce_sum3A_34 = vector.extract %reduce_sum3A_33[0, 0, 0] : f32 from vector<1x1x1xf32>
    %broadcast_in_dim3A_35 = vector.broadcast %reduce_sum3A_34 : f32 to vector<1x128xf32>
    %swap3A = arith.constant 0 : index
    %swap3A_36 = arith.constant 0 : index
    %swap3A_37 = vector.load %arg3[%swap3A, %swap3A_36] : memref<1x128xf32, #tpu.memory_space<vmem>>, vector<1x128xf32>
    tpu.vector_store %arg3[%swap3A, %swap3A_36], %broadcast_in_dim3A_35 {strides = array<i32>} : memref<1x128xf32, #tpu.memory_space<vmem>>, vector<1x128xf32>,
    return
  }
  func.func @transform_0(%arg0: i32) -> (i32, i32) {
    %c0_i32 = arith.constant 0 : i32
    %c0_i32_0 = arith.constant 0 : i32
    %c0_i32_1 = arith.constant 0 : i32
    return %c0_i32, %c0_i32_0 : i32, i32
  }
  func.func @transform_1(%arg0: i32) -> (i32, i32) {
    %c0_i32 = arith.constant 0 : i32
    %c0_i32_0 = arith.constant 0 : i32
    %c0_i32_1 = arith.constant 0 : i32
    return %c0_i32, %c0_i32_0 : i32, i32
  }
  func.func @transform_2(%arg0: i32) -> (i32, i32) {
    %c0_i32 = arith.constant 0 : i32
    %c0_i32_0 = arith.constant 0 : i32
    %c0_i32_1 = arith.constant 0 : i32
    return %c0_i32, %c0_i32_0 : i32, i32
  }
}

</mosaic_0001>

<sc_bundles>
// kernel: kernel.5.cloned.1.call-start
scs
__scs_entry_jumppad:
0x0: {  	(pc) =	sbr.rel $0x88, $3  }
0x1: {  	(tag) =	ssettag $0x0;
	lr =	simm.s32 $0x1  }
0x2: {  	[smem:$0x3F98] =	sst lr;
	_ =	strace $0xD0000000  }
0x3: {  	_ = 	snop  }
0x4: {  	_ = 	snop  }
0x5: {  	_ = 	snop  }
0x6: {  	_ = 	snop  }
0x7: {  	_ = 	snop  }
__scs_overlays_trampoline_lowered:
0x8: {  	[smem:$0x3FA7] =	sst s0  }
0x9: {  	[smem:$0x3FA8] =	sst s1  }
0xa: {  	[smem:$0x3FA9] =	sst s2  }
0xb: {  	[smem:$0x3FAA] =	sst s3  }
0xc: {  	[smem:$0x3FAB] =	sst s4  }
0xd: {  	[smem:$0x3FAC] =	sst s5  }
0xe: {  	[smem:$0x3FAD] =	sst s6  }
0xf: {  	[smem:$0x3FAE] =	sst s7  }
0x10: {  	[smem:$0x3FAF] =	sst s8  }
0x11: {  	[smem:$0x3FB0] =	sst s9;
	s0 =	simm.s32 @!p0 $0x0  }
0x12: {  	s1 =	sld [smem:$0x3F96];
	s0 =	simm.s32 @p0 $0x1  }
0x13: {  	[smem:$0x3FB1] =	sst s0;
	s0 =	simm.s32 @!p1 $0x0  }
0x14: {  	s2 =	sld [smem:$0x3F95];
	s0 =	simm.s32 @p1 $0x1  }
0x15: {  	[smem:$0x3FB2] =	sst s0;
	s0 =	simm.s32 @!p2 $0x0  }
0x16: {  	s3 =	sld [smem:$0x3FDB];
	s0 =	simm.s32 @p2 $0x1  }
0x17: {  	s4 =	simm.s32 $0x1BF5;
	[smem:$0x3FB4] =	sst s0  }
0x18: {  	s0 =	sld [smem:$0x3F97];
	_ =	swait.ge [sflag:s4], $0x0  }
0x19: {  	s7 =	sld [smem:$0x3F98]  }
0x1a: {  	s8 =	sadd.s32 $0xFFFFE003, lr  }
0x1b: {  	s9 =	sadd.s32 $0xFFFFFEF7, lr;
	s5 =	simm.s32 $0xFFFFFFFF;
	p2 =	slt.u32 s8, $0xFFFFF086  }
0x1c: {  	p1 =	slt.u32 s9, $0xF7A;
	s5 =	simm.s32 @!p2 $0x0  }
0x1d: {  	s5 =	simm.s32 @p1 $0x1;
	p0 =	seq.s32 s7, s2  }
0x1e: {  	s7 =	smul.u32 @!p0 $0xF7A, s2;
	p2 =	seq.s32 @!p0 s5, $0x0  }
0x1f: {  	s9 =	smul.u32 $0xF7A, s1;
	s8 =	simm.s32 @!p0 $0x1BF5;
	p2 =	por !p2, p0  }
0x20: {  	[sflag:s8] =	ssyncset.s32 @!p0 $0xFFFFF086;
	s6 =	sadd.s32 @!p0 s3, s7;
	s7 =	simm.s32 @!p0 $0x108  }
0x21: {  	s3 =	sadd.s32 s3, s9;
	s6 =	sadd.s32 @!p0 $0x88, s6;
	s7 =	simm.s32 @p2 $0x1082  }
0x22: {  	[simem:s7], [sflag:s8] =	dma.local @!p0 [hbm:s6], $0xF7A  }
0x23: {  	s9 =	sor.u32 $0xD0000000, s2;
	s6 =	simm.s32 $0x108;
	_ =	swait.ge @!p0 [sflag:s8], $0x0  }
0x24: {  	s3 =	sadd.s32 $0x88, s3;
	s6 =	simm.s32 @!p1 $0x1082;
	[sflag:s4] =	ssyncset.s32 $0xFFFFF086  }
0x25: {  	[simem:s6], [sflag:s4] =	dma.local [hbm:s3], $0xF7A  }
0x26: {  	[smem:$0x3F98] =	sst s1;
	(tag) =	ssettag s2;
	_ =	strace s9  }
0x27: {  	s1 =	sld [smem:$0x3FA8]  }
0x28: {  	s2 =	sld [smem:$0x3FA9]  }
0x29: {  	s4 =	sld [smem:$0x3FAB]  }
0x2a: {  	p0 =	seq.s32 s5, $0x0;
	s5 =	sld [smem:$0x3FAC]  }
0x2b: {  	s6 =	sld [smem:$0x3FAD]  }
0x2c: {  	s7 =	sld [smem:$0x3FAE]  }
0x2d: {  	s3 =	simm.s32 $0x108;
	s8 =	sld [smem:$0x3FAF]  }
0x2e: {  	s3 =	simm.s32 @!p0 $0x1082;
	s9 =	sld [smem:$0x3FB0]  }
0x2f: {  	lr =	sadd.s32 s0, s3;
	s0 =	sld [smem:$0x3FA7]  }
0x30: {  	s3 =	sld [smem:$0x3FAA]  }
0x31: {  	[smem:$0x3FB3] =	sst s10  }
0x32: {  	s10 =	sld [smem:$0x3FB1];
	_ =	sdelay $0x3  }
0x33: {  	p0 =	seq.s32 s10, $0x1;
	s10 =	sld [smem:$0x3FB3];
	_ =	sdelay $0x3  }
0x34: {  	[smem:$0x3FB3] =	sst s10  }
0x35: {  	s10 =	sld [smem:$0x3FB2];
	_ =	sdelay $0x3  }
0x36: {  	p1 =	seq.s32 s10, $0x1;
	s10 =	sld [smem:$0x3FB3];
	_ =	sdelay $0x3  }
0x37: {  	[smem:$0x3FB3] =	sst s10  }
0x38: {  	s10 =	sld [smem:$0x3FB4]  }
0x39: {  	_ = 	snop;
	(pc) =	sbr.ind lr, $3  }
0x3a: {  	_ = 	snop  }
0x3b: {  	_ = 	snop  }
0x3c: {  	p2 =	seq.s32 s10, $0x1;
	s10 =	sld [smem:$0x3FB3]  }
0x3d: {  	_ =	shalt  }
0x3e: {  	_ =	shalt  }
0x3f: {  	_ =	shalt  }
0x40: {  	_ =	shalt  }
0x41: {  	_ =	shalt  }
0x42: {  	_ =	shalt  }
0x43: {  	_ =	shalt  }
0x44: {  	_ =	shalt  }
0x45: {  	_ =	shalt  }
0x46: {  	_ =	shalt  }
0x47: {  	_ =	shalt  }
0x48: {  	_ =	shalt  }
0x49: {  	_ =	shalt  }
0x4a: {  	_ =	shalt  }
0x4b: {  	_ =	shalt  }
0x4c: {  	_ =	shalt  }
0x4d: {  	_ =	shalt  }
0x4e: {  	_ =	shalt  }
0x4f: {  	_ =	shalt  }
0x50: {  	_ =	shalt  }
0x51: {  	_ =	shalt  }
0x52: {  	_ =	shalt  }
0x53: {  	_ =	shalt  }
0x54: {  	_ =	shalt  }
0x55: {  	_ =	shalt  }
0x56: {  	_ =	shalt  }
0x57: {  	_ =	shalt  }
0x58: {  	_ =	shalt  }
0x59: {  	_ =	shalt  }
0x5a: {  	_ =	shalt  }
0x5b: {  	_ =	shalt  }
0x5c: {  	_ =	shalt  }
0x5d: {  	_ =	shalt  }
0x5e: {  	_ =	shalt  }
0x5f: {  	_ =	shalt  }
0x60: {  	_ =	shalt  }
0x61: {  	_ =	shalt  }
0x62: {  	_ =	shalt  }
0x63: {  	_ =	shalt  }
0x64: {  	_ =	shalt  }
0x65: {  	_ =	shalt  }
0x66: {  	_ =	shalt  }
0x67: {  	_ =	shalt  }
0x68: {  	_ =	shalt  }
0x69: {  	_ =	shalt  }
0x6a: {  	_ =	shalt  }
0x6b: {  	_ =	shalt  }
0x6c: {  	_ =	shalt  }
0x6d: {  	_ =	shalt  }
0x6e: {  	_ =	shalt  }
0x6f: {  	_ =	shalt  }
0x70: {  	_ =	shalt  }
0x71: {  	_ =	shalt  }
0x72: {  	_ =	shalt  }
0x73: {  	_ =	shalt  }
0x74: {  	_ =	shalt  }
0x75: {  	_ =	shalt  }
0x76: {  	_ =	shalt  }
0x77: {  	_ =	shalt  }
0x78: {  	_ =	shalt  }
0x79: {  	_ =	shalt  }
0x7a: {  	_ =	shalt  }
0x7b: {  	_ =	shalt  }
0x7c: {  	_ =	shalt  }
0x7d: {  	_ =	shalt  }
0x7e: {  	_ =	shalt  }
0x7f: {  	_ =	shalt  }
0x80: {  	_ =	shalt  }
0x81: {  	_ =	shalt  }
0x82: {  	_ =	shalt  }
0x83: {  	_ =	shalt  }
0x84: {  	_ =	shalt  }
0x85: {  	_ =	shalt  }
0x86: {  	_ =	shalt  }
0x87: {  	_ =	shalt  }
.Lfunc_end0:
.L_simem_size_0:
called_computation_lowered:
.L_overlay_start_0:
0x88: {  	s2 =	sld [smem:$0x3FD9]  }
0x89: {  	s3 =	sld [smem:$0x3FFE];
	_ =	sdelay $0x1  }
0x8a: {  	s1 =	srdreg.scid  }
0x8b: {  	s0 =	sand.u32 $0x1, s1  }
0x8c: {  	s16 =	sshll.u32 s0, $0xA;
	s2 =	sadd.s32 s3, s2  }
0x8d: {  	s2 =	sadd.s32 s2, s16  }
0x8e: {  	[smem:$0x3FBF] =	sst s2  }
0x8f: {  	_ = 	snop  }
0x90: {  	(tm) =	ssettm $0x1  }
0x91: {  	s17 =	sld [smem:$0x3FFB];
	_ =	sdelay $0x3  }
0x92: {  	_ =	strace s17  }
0x93: {  	s2 =	sld [smem:$0x3FFC];
	_ =	sdelay $0x3  }
0x94: {  	_ =	strace s2  }
0x95: {  	s2 =	sld [smem:$0x3FFD];
	_ =	sdelay $0x3  }
0x96: {  	_ =	strace s2  }
0x97: {  	_ =	strace $0x8FFFFFFF  }
0x98: {  	s18 =	sld [smem:$0x3FDB];
	_ =	sdelay $0x1  }
0x99: {  	s19 =	simm.s32 $_scs_section_size  }
0x9a: {  	s4 =	simm.s32 $_size__tile_overlayer_lowered;
	s5 =	simm.s32 $_tile_overlayer_lowered  }
0x9b: {  	s22 =	simm.s32 $0x1BFF;
	s21 =	sshll.u32 s5, $0x1;
	s2 =	sadd.s32 s19, s18  }
0x9c: {  	s6 =	simm.s32 $0x0;
	s20 =	sshll.u32 s4, $0x1;
	s4 =	sadd.s32 s21, s2  }
0x9d: {  	[timem:s6], [sflag:s22] =	dma.local [hbm:s4], s20  }
0x9e: {  	_ =	swait.ge [sflag:s22], s20  }
0x9f: {  	s3 =	ssub.s32 $0x0, s20;
	[sflag:s22] =	ssyncset.done $0x0  }
0xa0: {  	[sflag:s22] =	ssyncadd.s32 s3;
	_ =	sdelay $0x1  }
0xa1: {  	s23 =	simm.s32 $0x1B8B  }
0xa2: {  	_ =	swait.ge [sflag:s23], $0x1  }
0xa3: {  	[sflag:s23] =	ssyncset.done $0x0  }
0xa4: {  	s25 =	simm.s32 $0x1B8E;
	s24 =	sld [smem:$0x3FFE];
	[sflag:s23] =	ssyncadd.s32 $0xFFFFFFFF  }
0xa5: {  	s26 =	simm.s32 $execute0_lowered;
	[smem:$0x3FD2] =	sst s25  }
0xa6: {  	s4 =	sshll.u32 s26, $0x1;
	_ =	strace $0x80000046;
	[dreg:$0x1] =	wrdreg $0xFFFFFFFF  }
0xa7: {  	s28 =	simm.s32 $_size_execute0_lowered;
	s2 =	sadd.s32 s2, s4;
	[dreg:$0x0] =	wrdreg $0x0  }
0xa8: {  	s4 =	sshll.u32 s28, $0x1;
	[dreg:$0x2] =	wrdreg s2  }
0xa9: {  	[dreg:$0x3] =	wrdreg s4  }
0xaa: {  	[dreg:$0x4] =	wrdreg $0xC0  }
0xab: {  	_ =	task [dreg:s6], $0x5FFFF  }
0xac: {  	[dreg:$0x1] =	wrdreg $0xFFFFFFFF  }
0xad: {  	[dreg:$0x0] =	wrdreg $0x60  }
0xae: {  	[dreg:$0x2] =	wrdreg s24  }
0xaf: {  	[dreg:$0x3] =	wrdreg $0x9  }
0xb0: {  	_ =	task.clear_ibuf [dreg:s6], $0x4FFFF;
	_ =	strace $0x90000046  }
0xb1: {  	s29 =	simm.s32 $0x9;
	_ =	strace $0x80000048  }
0xb2: {  	_ =	swait.ge [sflag:s29], $0x1  }
0xb3: {  	[sflag:s29] =	ssyncadd.s32 $0xFFFFFFFF  }
0xb4: {  	_ =	strace $0x90000048  }
0xb5: {  	_ =	sfence  }
0xb6: {  	s30 =	sld [smem:$0x0];
	_ =	sdelay $0x2  }
0xb7: {  	s31 =	sshll.u32 s1, $0xD;
	s1 =	sshrl.u32 s1, $0x2  }
0xb8: {  	s3 =	sand.u32 $0x4000, s31;
	s1 =	sadd.s32 s1, s30  }
0xb9: {  	s0 =	sor.u32 s3, s0;
	s1 =	sshll.u32 s1, $0x11  }
0xba: {  	s0 =	sor.u32 s1, s0  }
0xbb: {  	s0 =	sadd.s32 $0x8F2B, s0  }
0xbc: {  	[sflag:s0] =	ssyncadd.remote.s32 $0x1  }
0xbd: {  	_ =	sfence.sel $0xFFFF  }
0xbe: {  	[dreg:$0x0] =	wrdreg $0xFFFFFFFF;
	(pc) =	sbr.abs _section_cstart, $3  }
0xbf: {  	[dreg:$0x1] =	wrdreg $0xFFFFFFFF  }
0xc0: {  	_ =	task.clear_ibuf [dreg:s6], $0x2FFFF;
	_ =	strace $0x9FFFFFFF  }
0xc1: {  	(tm) =	ssettm $0x7FFFFFFF  }
tec
execute0_lowered:
.L_overlay_start_1:
0x0: {  	(tag) =	ssettag $0x1  }
0x1: {  	s1 =	srdreg.scid;
	s0 =	stileid.u32  }
0x2: {  	s6 =	sand.u32 $0x1, s1;
	s30 =	sshll.u32 s0, $0x1  }
0x3: {  	s9 =	rddreg [dreg:$0x0];
	s7 =	sor.u32 s6, s30  }
0x4: {  	s2 =	simm.s32 $0x0;
	s1 =	rddreg [dreg:$0x1];
	s3 =	smul.u32 $0x28, s7  }
0x5: {  	s8 =	simm.s32 $0x1;
	[smem:$0x7FF] =	sst s2;
	s5 =	sadd.s32 $0x1000, s9  }
0x6: {  	_ =	strace $0x80000047;
	s11 =	ssub.s32 $0x2, s6;
	s3 =	sadd.s32 s3, s9  }
0x7: {  	s6 =	simm.s32 $0x140;
	s4 =	sadd.s32 $0x28200, s3;
	s3 =	simm.s32 $0x2  }
0x8: {  	[tilespmem:s2], [sflag:$0x2] =	stream.linear.gather [hbm4b:s4+s2], $0x140, $0x38;
	[tilespmem:$0xA180] =	vst v63  }
0x9: {  	s10 =	smul.u32 $0x1400, s7;
	s12 =	sshrl.u32 s11, $0x1;
	_ =	swait.ge [sflag:s3], $0x140  }
0xa: {  	s7 =	simm.s32 $0x180;
	s31 =	ssub.s32 s11, s12;
	[sflag:s3] =	ssyncset.done $0x0  }
0xb: {  	s9 =	sadd.s32 s10, s9;
	s10 =	smax.u32 s31, $0x1;
	[sflag:s3] =	ssyncadd.s32 $0xFFFFFEC0  }
0xc: {  	[tilespmem:s7], [sflag:$0x1] =	stream.indirect.gather [hbm4b:s5+s6], $0x80, s2, s6, $0xb8;
	[tilespmem:$0xA180] =	vst v63  }
0xd: {  	p0 =	sne.s32 s10, $0x1;
	_ =	swait.ge [sflag:s8], $0xA000  }
.Ltmp0:
0xe: {  	[sflag:s8] =	ssyncset.done $0x0;
	(pc) =	sbr.rel @!p0 .LBB2_2-.Ltmp0, $4  }
0xf: {  	s9 =	sadd.s32 $0x28800, s9;
	[sflag:s8] =	ssyncadd.s32 $0xFFFF6000  }
0x10: {  	[hbm4b:s9+s2] =	stream.linear.scatter [tilespmem:s7], [sflag:$0x2], $0xA000, $0x38;
	[tilespmem:$0xA180] =	vst v63  }
0x11: {  	_ =	swait.ge [sflag:s3], $0xA000  }
0x12: {  	s10 =	sadd.s32 $0xFFFFFFFF, s10;
	[sflag:s3] =	ssyncset.done $0x0  }
.LBB2_1:
0x13: {  	p0 =	sne.s32 s10, $0x1;
	s10 =	sadd.s32 $0xFFFFFFFF, s10;
	[sflag:s3] =	ssyncadd.s32 $0xFFFF6000  }
0x14: {  	[tilespmem:s2], [sflag:$0x2] =	stream.linear.gather [hbm4b:s4+s2], $0x140, $0x38;
	[tilespmem:$0xA180] =	vst v63  }
0x15: {  	_ =	swait.ge [sflag:s3], $0x140  }
0x16: {  	[sflag:s3] =	ssyncset.done $0x0  }
0x17: {  	[sflag:s3] =	ssyncadd.s32 $0xFFFFFEC0  }
0x18: {  	[tilespmem:s7], [sflag:$0x1] =	stream.indirect.gather [hbm4b:s5+s6], $0x80, s2, s6, $0xb8;
	[tilespmem:$0xA180] =	vst v63  }
0x19: {  	_ =	swait.ge [sflag:s8], $0xA000  }
.Ltmp1:
0x1a: {  	[sflag:s8] =	ssyncset.done $0x0;
	(pc) =	sbr.rel @p0 .LBB2_1-.Ltmp1, $4  }
0x1b: {  	[sflag:s8] =	ssyncadd.s32 $0xFFFF6000  }
0x1c: {  	[hbm4b:s9+s2] =	stream.linear.scatter [tilespmem:s7], [sflag:$0x2], $0xA000, $0x38;
	[tilespmem:$0xA180] =	vst v63  }
0x1d: {  	_ =	swait.ge [sflag:s3], $0xA000  }
0x1e: {  	[sflag:s3] =	ssyncset.done $0x0  }
.LBB2_2:
0x1f: {  	[sflag:s3] =	ssyncadd.s32 $0xFFFF6000  }
0x20: {  	_ =	sfence.sel $0x180000  }
0x21: {  	[bflag:$0x0] =	sbarrier.arrive $0xFFFF  }
0x22: {  	p0 =	sne.s32 s0, $0x0;
	_ =	strace $0x90000047  }
0x23: {  	s0 =	sadd.s32 @!p0 $0x100000, s1;
	[bflag:$0x2] =	sbarrier.arrive $0xFFFF  }
0x24: {  	[sflag:s0] =	ssyncadd.tile.s32 @!p0 $0x1;
	_ =	shalt  }
.Lfunc_end2:
_tile_overlayer_lowered:
.L_overlay_start_2:
0x25: {  	(tag) =	ssettag $0x2  }
0x26: {  	s0 =	rddreg [dreg:$0x0];
	s2 =	stileid.u32  }
0x27: {  	s1 =	rddreg [dreg:$0x1];
	p0 =	sne.s32 s2, $0x0  }
0x28: {  	s3 =	rddreg [dreg:$0x2];
	[bflag:$0x3] =	sbarrier.arrive $0xFFFF;
	s2 =	simm.s32 @!p0 $0x1C02  }
0x29: {  	[timem:s3], [sflag:s2] =	dma.local @!p0 [hbm:s0], s1  }
0x2a: {  	s0 =	simm.s32 @!p0 $0x2  }
0x2b: {  	_ =	swait.ge @!p0 [sflag:s0], s1  }
0x2c: {  	s1 =	ssub.s32 @!p0 $0x0, s1;
	[sflag:s0] =	ssyncset.done @!p0 $0x0  }
0x2d: {  	[sflag:s0] =	ssyncadd.s32 @!p0 s1  }
0x2e: {  	[bflag:$0x3] =	sbarrier.arrive $0xFFFF  }
0x2f: {  	_ =	shalt  }

</sc_bundles>
